<compile_context>
chip_gen: v7x
topology: tpu7x:2x2x1
jax: 0.10.2.dev20260603
libtpu: 0.0.44.dev20260713+nightly
codegen_flags: <defaults>
</compile_context>

<pallas_src>
import functools

import jax
import jax.numpy as jnp
from jax import lax
from jax.experimental import pallas as pl
from jax.experimental.pallas import tpu as pltpu
from jax.experimental.pallas import tpu_sc as plsc

NUM_CORES = 2
NUM_SUBCORES = 16
LANES = 16


def _make_sc_kernel(B, S, C):
    NW = NUM_CORES * NUM_SUBCORES
    n_rows = S * (C // 8)
    iters = (n_rows + NW - 1) // NW
    n_vecs = B // LANES
    mesh = plsc.VectorSubcoreMesh(core_axis_name="c", subcore_axis_name="s")

    @functools.partial(
        pl.kernel,
        mesh=mesh,
        compiler_params=pltpu.CompilerParams(
            use_tc_tiling_on_sc=True, needs_layout_passes=False
        ),
        out_type=jax.ShapeDtypeStruct((S, C, B), jnp.float32),
        scratch_types=[
            pltpu.VMEM((B,), jnp.int32),
            pltpu.VMEM((8, B), jnp.float32),
            pltpu.SemaphoreType.DMA,
        ],
    )
    def k(t_hbm, z_hbm, out_hbm, trow, slab, sem):
        wid = lax.axis_index("s") * NUM_CORES + lax.axis_index("c")
        pltpu.sync_copy(z_hbm, slab)
        lane = lax.iota(jnp.int32, LANES)
        ones_v = jnp.full((LANES,), 1.0, jnp.float32)
        zeros_v = jnp.zeros((LANES,), jnp.float32)

        def scat(c0, vals):
            def sbody(j, carry):
                tv = trow[pl.ds(j * LANES, LANES)]
                crel = tv - c0
                m = (tv >= c0) & (tv < c0 + 8)
                plsc.store_scatter(slab, [crel, j * LANES + lane], vals, mask=m)
                return carry

            lax.fori_loop(0, n_vecs, sbody, 0)

        def body(i, carry):
            r = i * NW + wid

            @pl.when(r < n_rows)
            def _():
                s = r // (C // 8)
                c0 = (r % (C // 8)) * 8
                pltpu.sync_copy(t_hbm.at[pl.ds(s * B, B)], trow)
                scat(c0, ones_v)
                pltpu.async_copy(
                    slab, out_hbm.at[s, pl.ds(c0, 8), :], sem
                ).wait()
                scat(c0, zeros_v)

            return carry

        lax.fori_loop(0, iters, body, 0)

    return k


def kernel(t, ones):
    B, S = t.shape
    C = ones.shape[0]
    t1d = t.astype(jnp.int32).T.reshape(-1)
    zeros = jnp.zeros((8, B), jnp.float32)
    out_t = _make_sc_kernel(B, S, C)(t1d, zeros)
    return jnp.transpose(out_t, (2, 1, 0))

# --- scband reference (transcript-rebuilt; emitter-appended) ---
"""Pipeline reference for scband-one-hot-encoder-17789754540959 (READ-ONLY COPY).

The authoritative reference and input builder live on the scoring server;
editing this copy changes nothing except your own understanding.
"""

import jax, jax.numpy as jnp
import numpy as np

N_CLASSES = 1000
BATCH = 4096
SEQ = 20

def setup_inputs(seed: int = 0) -> dict:
    key = jax.random.key(seed)
    t = jax.random.randint(key, (BATCH, SEQ), 0, N_CLASSES)
    # The module's identity 'ones' buffer (torch.sparse eye), materialized dense.
    ones = jnp.eye(N_CLASSES, dtype=jnp.float32)
    return {"t": t, "ones": ones}

def reference(t, ones):
    # Faithful translation of OneHotEncoder.forward:
    #   index_select rows of an identity matrix by flattened indices,
    #   reshape to t.shape + (n_classes,), then move class dim to axis 1.
    n_dim = t.ndim
    n_classes = ones.shape[0]
    output_size = tuple(t.shape) + (n_classes,)
    flat = t.astype(jnp.int32).reshape(-1)
    out = jnp.take(ones, flat, axis=0)  # gather -> SparseCore-friendly
    out = out.reshape(output_size)
    perm = (0, n_dim) + tuple(range(1, n_dim))
    out = jnp.transpose(out, perm).astype(jnp.float32)
    return out

if __name__ == "__main__":
    import jax
    _d = setup_inputs()
    print(jax.jit(kernel)(*tuple(_d.values())))

</pallas_src>

<mosaic_0001>
#map = affine_map<(d0, d1) -> (0)>
#map1 = affine_map<(d0, d1) -> (0, 0)>
#map2 = affine_map<(d0, d1) -> (0, 0, 0)>
module attributes {stable_mosaic.version = 14 : i64} {
  func.func @k(%arg0: i32, %arg1: i32, %arg2: memref<81920xi32, #tpu.memory_space<hbm>>, %arg3: memref<8x4096xf32, #tpu.memory_space<hbm>>, %arg4: memref<20x1000x4096xf32, #tpu.memory_space<hbm>>, %arg5: memref<4096xi32, #tpu.memory_space<vmem>>, %arg6: memref<8x4096xf32, #tpu.memory_space<vmem>>, %arg7: memref<!tpu.dma_semaphore, #tpu.memory_space<semaphore_mem>>) attributes {dimension_semantics = [#tpu.dimension_semantics<core_parallel>, #tpu.dimension_semantics<subcore_parallel>], iteration_bounds = array<i64: 2, 16>, scalar_prefetch = 0 : i64, scratch_operands = 3 : i64, tpu.core_type = #tpu.core_type<sc_vector_subcore>, window_params = [{transform_indices = #map}, {transform_indices = #map1}, {transform_indices = #map2}]} {
    %mul3A = arith.constant 2 : i32
    %mul3A_0 = arith.muli %arg1, %mul3A : i32
    %add3A = arith.addi %mul3A_0, %arg0 : i32
    "tpu.region"() ({
      %run_scoped3A = tpu.sem_alloc : memref<!tpu.dma_semaphore, #tpu.memory_space<semaphore_mem>>
      tpu.enqueue_dma source(%arg3 : memref<8x4096xf32, #tpu.memory_space<hbm>>) target(%arg6 : memref<8x4096xf32, #tpu.memory_space<vmem>>) target_semaphore(%run_scoped3A : memref<!tpu.dma_semaphore, #tpu.memory_space<semaphore_mem>>)
      tpu.wait_dma2 semaphore(%run_scoped3A : memref<!tpu.dma_semaphore, #tpu.memory_space<semaphore_mem>>) src(%arg3 : memref<8x4096xf32, #tpu.memory_space<hbm>>) dst(%arg6 : memref<8x4096xf32, #tpu.memory_space<vmem>>)
      tpu.yield
    }) : () -> ()
    %iota3A = tpu.iota {dimensions = array<i32: 0>} : vector<16xi32>
    %broadcast_in_dim3A = arith.constant 1.000000e+00 : f32
    %broadcast_in_dim3A_1 = vector.broadcast %broadcast_in_dim3A : f32 to vector<16xf32>
    %broadcast_in_dim3A_2 = arith.constant 0.000000e+00 : f32
    %broadcast_in_dim3A_3 = vector.broadcast %broadcast_in_dim3A_2 : f32 to vector<16xf32>
    %scan3A = arith.constant 0 : i32
    %scan3A_4 = arith.constant 0 : i32
    %scan3A_5 = arith.constant 79 : i32
    %scan3A_6 = arith.addi %scan3A_4, %scan3A_5 : i32
    %scan3A_7 = arith.constant 1 : i32
    scf.for %scan3A_9 = %scan3A_4 to %scan3A_6 step %scan3A_7  : i32 {
      %mul3A_10 = arith.constant 32 : i32
      %mul3A_11 = arith.muli %scan3A_9, %mul3A_10 : i32
      %add3A_12 = arith.addi %mul3A_11, %add3A : i32
      %lt3A = arith.constant 2500 : i32
      %lt3A_13 = arith.cmpi slt, %add3A_12, %lt3A : i32
      %convert_element_type3A = arith.extui %lt3A_13 : i1 to i32
      %cond3A = arith.constant 0 : i32
      %cond3A_14 = arith.cmpi ne, %convert_element_type3A, %cond3A : i32
      scf.if %cond3A_14 {
        %jit3A = arith.constant 125 : i32
        %div3A = arith.divsi %add3A_12, %jit3A : i32
        %sign3A = arith.constant 0 : i32
        %sign3A_15 = arith.cmpi sgt, %add3A_12, %sign3A : i32
        %sign3A_16 = arith.extui %sign3A_15 : i1 to i32
        %sign3A_17 = arith.constant 0 : i32
        %sign3A_18 = arith.cmpi slt, %add3A_12, %sign3A_17 : i32
        %sign3A_19 = arith.extui %sign3A_18 : i1 to i32
        %sign3A_20 = arith.subi %sign3A_16, %sign3A_19 : i32
        %sign3A_21 = arith.constant 0 : i32
        %sign3A_22 = arith.cmpi sgt, %jit3A, %sign3A_21 : i32
        %sign3A_23 = arith.extui %sign3A_22 : i1 to i32
        %sign3A_24 = arith.constant 0 : i32
        %sign3A_25 = arith.cmpi slt, %jit3A, %sign3A_24 : i32
        %sign3A_26 = arith.extui %sign3A_25 : i1 to i32
        %sign3A_27 = arith.subi %sign3A_23, %sign3A_26 : i32
        %ne3A = arith.cmpi ne, %sign3A_20, %sign3A_27 : i32
        %rem3A = arith.remsi %add3A_12, %jit3A : i32
        %ne3A_28 = arith.constant 0 : i32
        %ne3A_29 = arith.cmpi ne, %rem3A, %ne3A_28 : i32
        %and3A = arith.andi %ne3A, %ne3A_29 : i1
        %sub3A = arith.constant 1 : i32
        %sub3A_30 = arith.subi %div3A, %sub3A : i32
        %select_n3A = arith.select %and3A, %sub3A_30, %div3A : i32
        %jit3A_31 = arith.constant 125 : i32
        %eq3A = arith.constant 0 : i32
        %eq3A_32 = arith.cmpi eq, %jit3A_31, %eq3A : i32
        %jit3A_33 = arith.constant 1 : i32
        %select_n3A_34 = arith.select %eq3A_32, %jit3A_33, %jit3A_31 : i32
        %rem3A_35 = arith.remsi %add3A_12, %select_n3A_34 : i32
        %ne3A_36 = arith.constant 0 : i32
        %ne3A_37 = arith.cmpi ne, %rem3A_35, %ne3A_36 : i32
        %lt3A_38 = arith.constant 0 : i32
        %lt3A_39 = arith.cmpi slt, %rem3A_35, %lt3A_38 : i32
        %lt3A_40 = arith.constant 0 : i32
        %lt3A_41 = arith.cmpi slt, %select_n3A_34, %lt3A_40 : i32
        %ne3A_42 = arith.xori %lt3A_39, %lt3A_41 : i1
        %and3A_43 = arith.andi %ne3A_42, %ne3A_37 : i1
        %add3A_44 = arith.addi %rem3A_35, %select_n3A_34 : i32
        %select_n3A_45 = arith.select %and3A_43, %add3A_44, %rem3A_35 : i32
        %mul3A_46 = arith.constant 8 : i32
        %mul3A_47 = arith.muli %select_n3A_45, %mul3A_46 : i32
        %mul3A_48 = arith.constant 4096 : i32
        %mul3A_49 = arith.muli %select_n3A, %mul3A_48 : i32
        "tpu.region"() ({
          %run_scoped3A = tpu.sem_alloc : memref<!tpu.dma_semaphore, #tpu.memory_space<semaphore_mem>>
          %dma_start3A_72 = tpu.memref_slice %arg2[%mul3A_49] : memref<81920xi32, #tpu.memory_space<hbm>> -> memref<4096xi32, #tpu.memory_space<hbm>>
          %dma_start3A_73 = tpu.memref_slice %arg2[%mul3A_49] : memref<81920xi32, #tpu.memory_space<hbm>> -> memref<4096xi32, #tpu.memory_space<hbm>>
          tpu.enqueue_dma source(%dma_start3A_73 : memref<4096xi32, #tpu.memory_space<hbm>>) target(%arg5 : memref<4096xi32, #tpu.memory_space<vmem>>) target_semaphore(%run_scoped3A : memref<!tpu.dma_semaphore, #tpu.memory_space<semaphore_mem>>)
          %dma_wait3A_74 = tpu.memref_slice %arg2[%mul3A_49] : memref<81920xi32, #tpu.memory_space<hbm>> -> memref<4096xi32, #tpu.memory_space<hbm>>
          %dma_wait3A_75 = tpu.memref_slice %arg2[%mul3A_49] : memref<81920xi32, #tpu.memory_space<hbm>> -> memref<4096xi32, #tpu.memory_space<hbm>>
          tpu.wait_dma2 semaphore(%run_scoped3A : memref<!tpu.dma_semaphore, #tpu.memory_space<semaphore_mem>>) src(%dma_wait3A_75 : memref<4096xi32, #tpu.memory_space<hbm>>) dst(%arg5 : memref<4096xi32, #tpu.memory_space<vmem>>)
          tpu.yield
        }) : () -> ()
        %scan3A_50 = arith.constant 0 : i32
        %scan3A_51 = arith.constant 0 : i32
        %scan3A_52 = arith.constant 256 : i32
        %scan3A_53 = arith.addi %scan3A_51, %scan3A_52 : i32
        %scan3A_54 = arith.constant 1 : i32
        scf.for %scan3A_72 = %scan3A_51 to %scan3A_53 step %scan3A_54  : i32 {
          %mul3A_73 = arith.constant 16 : i32
          %mul3A_74 = arith.muli %scan3A_72, %mul3A_73 : i32
          %get3A = arith.index_cast %mul3A_74 : i32 to index
          %get3A_75 = tpu.vector_load %arg5[%get3A] {strides = array<i32>} : memref<4096xi32, #tpu.memory_space<vmem>>, vector<16xi32>,
          %sub3A_76 = vector.broadcast %mul3A_47 : i32 to vector<16xi32>
          %sub3A_77 = arith.subi %get3A_75, %sub3A_76 : vector<16xi32>
          %ge3A = vector.broadcast %mul3A_47 : i32 to vector<16xi32>
          %ge3A_78 = arith.cmpi sge, %get3A_75, %ge3A : vector<16xi32>
          %add3A_79 = arith.constant 8 : i32
          %add3A_80 = arith.addi %mul3A_47, %add3A_79 : i32
          %lt3A_81 = vector.broadcast %add3A_80 : i32 to vector<16xi32>
          %lt3A_82 = arith.cmpi slt, %get3A_75, %lt3A_81 : vector<16xi32>
          %and3A_83 = arith.andi %ge3A_78, %lt3A_82 : vector<16xi1>
          %mul3A_84 = arith.constant 16 : i32
          %mul3A_85 = arith.muli %scan3A_72, %mul3A_84 : i32
          %add3A_86 = vector.broadcast %mul3A_85 : i32 to vector<16xi32>
          %add3A_87 = arith.addi %add3A_86, %iota3A : vector<16xi32>
          tpu.vector_store_idx %arg6[%sub3A_77, %add3A_87], %broadcast_in_dim3A_1 masked %and3A_83 : memref<8x4096xf32, #tpu.memory_space<vmem>>[vector<16xi32>, vector<16xi32>], vector<16xf32>, vector<16xi1>
        }
        %scan3A_55 = arith.constant 256 : i32
        %dma_start3A = arith.constant 0 : i32
        %dma_start3A_56 = tpu.memref_slice %arg4[%select_n3A, %mul3A_47, %dma_start3A] : memref<20x1000x4096xf32, #tpu.memory_space<hbm>> -> memref<1x8x4096xf32, #tpu.memory_space<hbm>>
        %dma_start3A_57 = tpu.memref_squeeze %dma_start3A_56 : memref<1x8x4096xf32, #tpu.memory_space<hbm>> -> memref<8x4096xf32, #tpu.memory_space<hbm>>
        %dma_start3A_58 = arith.constant 0 : i32
        %dma_start3A_59 = tpu.memref_slice %arg4[%select_n3A, %mul3A_47, %dma_start3A_58] : memref<20x1000x4096xf32, #tpu.memory_space<hbm>> -> memref<1x8x4096xf32, #tpu.memory_space<hbm>>
        %dma_start3A_60 = tpu.memref_squeeze %dma_start3A_59 : memref<1x8x4096xf32, #tpu.memory_space<hbm>> -> memref<8x4096xf32, #tpu.memory_space<hbm>>
        tpu.enqueue_dma source(%arg6 : memref<8x4096xf32, #tpu.memory_space<vmem>>) target(%dma_start3A_60 : memref<8x4096xf32, #tpu.memory_space<hbm>>) target_semaphore(%arg7 : memref<!tpu.dma_semaphore, #tpu.memory_space<semaphore_mem>>)
        %dma_wait3A = arith.constant 0 : i32
        %dma_wait3A_61 = tpu.memref_slice %arg4[%select_n3A, %mul3A_47, %dma_wait3A] : memref<20x1000x4096xf32, #tpu.memory_space<hbm>> -> memref<1x8x4096xf32, #tpu.memory_space<hbm>>
        %dma_wait3A_62 = tpu.memref_squeeze %dma_wait3A_61 : memref<1x8x4096xf32, #tpu.memory_space<hbm>> -> memref<8x4096xf32, #tpu.memory_space<hbm>>
        %dma_wait3A_63 = arith.constant 0 : i32
        %dma_wait3A_64 = tpu.memref_slice %arg4[%select_n3A, %mul3A_47, %dma_wait3A_63] : memref<20x1000x4096xf32, #tpu.memory_space<hbm>> -> memref<1x8x4096xf32, #tpu.memory_space<hbm>>
        %dma_wait3A_65 = tpu.memref_squeeze %dma_wait3A_64 : memref<1x8x4096xf32, #tpu.memory_space<hbm>> -> memref<8x4096xf32, #tpu.memory_space<hbm>>
        tpu.wait_dma2 semaphore(%arg7 : memref<!tpu.dma_semaphore, #tpu.memory_space<semaphore_mem>>) src(%arg6 : memref<8x4096xf32, #tpu.memory_space<vmem>>) dst(%dma_wait3A_65 : memref<8x4096xf32, #tpu.memory_space<hbm>>)
        %scan3A_66 = arith.constant 0 : i32
        %scan3A_67 = arith.constant 0 : i32
        %scan3A_68 = arith.constant 256 : i32
        %scan3A_69 = arith.addi %scan3A_67, %scan3A_68 : i32
        %scan3A_70 = arith.constant 1 : i32
        scf.for %scan3A_72 = %scan3A_67 to %scan3A_69 step %scan3A_70  : i32 {
          %mul3A_73 = arith.constant 16 : i32
          %mul3A_74 = arith.muli %scan3A_72, %mul3A_73 : i32
          %get3A = arith.index_cast %mul3A_74 : i32 to index
          %get3A_75 = tpu.vector_load %arg5[%get3A] {strides = array<i32>} : memref<4096xi32, #tpu.memory_space<vmem>>, vector<16xi32>,
          %sub3A_76 = vector.broadcast %mul3A_47 : i32 to vector<16xi32>
          %sub3A_77 = arith.subi %get3A_75, %sub3A_76 : vector<16xi32>
          %ge3A = vector.broadcast %mul3A_47 : i32 to vector<16xi32>
          %ge3A_78 = arith.cmpi sge, %get3A_75, %ge3A : vector<16xi32>
          %add3A_79 = arith.constant 8 : i32
          %add3A_80 = arith.addi %mul3A_47, %add3A_79 : i32
          %lt3A_81 = vector.broadcast %add3A_80 : i32 to vector<16xi32>
          %lt3A_82 = arith.cmpi slt, %get3A_75, %lt3A_81 : vector<16xi32>
          %and3A_83 = arith.andi %ge3A_78, %lt3A_82 : vector<16xi1>
          %mul3A_84 = arith.constant 16 : i32
          %mul3A_85 = arith.muli %scan3A_72, %mul3A_84 : i32
          %add3A_86 = vector.broadcast %mul3A_85 : i32 to vector<16xi32>
          %add3A_87 = arith.addi %add3A_86, %iota3A : vector<16xi32>
          tpu.vector_store_idx %arg6[%sub3A_77, %add3A_87], %broadcast_in_dim3A_3 masked %and3A_83 : memref<8x4096xf32, #tpu.memory_space<vmem>>[vector<16xi32>, vector<16xi32>], vector<16xf32>, vector<16xi1>
        }
        %scan3A_71 = arith.constant 256 : i32
      } else {
      }
    }
    %scan3A_8 = arith.constant 79 : i32
    return
  }
}

</mosaic_0001>

<sc_bundles>
// kernel: kernel.3.cloned.1.call-start
scs
__scs_entry_jumppad:
0x0: {  	(pc) =	sbr.rel $0x88, $3  }
0x1: {  	(tag) =	ssettag $0x0;
	lr =	simm.s32 $0x1  }
0x2: {  	[smem:$0x3FA0] =	sst lr;
	_ =	strace $0xD0000000  }
0x3: {  	_ = 	snop  }
0x4: {  	_ = 	snop  }
0x5: {  	_ = 	snop  }
0x6: {  	_ = 	snop  }
0x7: {  	_ = 	snop  }
__scs_overlays_trampoline_lowered:
0x8: {  	[smem:$0x3FAF] =	sst s0  }
0x9: {  	[smem:$0x3FB0] =	sst s1  }
0xa: {  	[smem:$0x3FB1] =	sst s2  }
0xb: {  	[smem:$0x3FB2] =	sst s3  }
0xc: {  	[smem:$0x3FB3] =	sst s4  }
0xd: {  	[smem:$0x3FB4] =	sst s5  }
0xe: {  	[smem:$0x3FB5] =	sst s6  }
0xf: {  	[smem:$0x3FB6] =	sst s7  }
0x10: {  	[smem:$0x3FB7] =	sst s8  }
0x11: {  	[smem:$0x3FB8] =	sst s9;
	s0 =	simm.s32 @!p0 $0x0  }
0x12: {  	s1 =	sld [smem:$0x3F9E];
	s0 =	simm.s32 @p0 $0x1  }
0x13: {  	[smem:$0x3FB9] =	sst s0;
	s0 =	simm.s32 @!p1 $0x0  }
0x14: {  	s2 =	sld [smem:$0x3F9D];
	s0 =	simm.s32 @p1 $0x1  }
0x15: {  	[smem:$0x3FBA] =	sst s0;
	s0 =	simm.s32 @!p2 $0x0  }
0x16: {  	s3 =	sld [smem:$0x3FDB];
	s0 =	simm.s32 @p2 $0x1  }
0x17: {  	s4 =	simm.s32 $0x1BF5;
	[smem:$0x3FBC] =	sst s0  }
0x18: {  	s0 =	sld [smem:$0x3F9F];
	_ =	swait.ge [sflag:s4], $0x0  }
0x19: {  	s7 =	sld [smem:$0x3FA0]  }
0x1a: {  	s8 =	sadd.s32 $0xFFFFE003, lr  }
0x1b: {  	s9 =	sadd.s32 $0xFFFFFEF7, lr;
	s5 =	simm.s32 $0xFFFFFFFF;
	p2 =	slt.u32 s8, $0xFFFFF086  }
0x1c: {  	p1 =	slt.u32 s9, $0xF7A;
	s5 =	simm.s32 @!p2 $0x0  }
0x1d: {  	s5 =	simm.s32 @p1 $0x1;
	p0 =	seq.s32 s7, s2  }
0x1e: {  	s7 =	smul.u32 @!p0 $0xF7A, s2;
	p2 =	seq.s32 @!p0 s5, $0x0  }
0x1f: {  	s9 =	smul.u32 $0xF7A, s1;
	s8 =	simm.s32 @!p0 $0x1BF5;
	p2 =	por !p2, p0  }
0x20: {  	[sflag:s8] =	ssyncset.s32 @!p0 $0xFFFFF086;
	s6 =	sadd.s32 @!p0 s3, s7;
	s7 =	simm.s32 @!p0 $0x108  }
0x21: {  	s3 =	sadd.s32 s3, s9;
	s6 =	sadd.s32 @!p0 $0x88, s6;
	s7 =	simm.s32 @p2 $0x1082  }
0x22: {  	[simem:s7], [sflag:s8] =	dma.local @!p0 [hbm:s6], $0xF7A  }
0x23: {  	s9 =	sor.u32 $0xD0000000, s2;
	s6 =	simm.s32 $0x108;
	_ =	swait.ge @!p0 [sflag:s8], $0x0  }
0x24: {  	s3 =	sadd.s32 $0x88, s3;
	s6 =	simm.s32 @!p1 $0x1082;
	[sflag:s4] =	ssyncset.s32 $0xFFFFF086  }
0x25: {  	[simem:s6], [sflag:s4] =	dma.local [hbm:s3], $0xF7A  }
0x26: {  	[smem:$0x3FA0] =	sst s1;
	(tag) =	ssettag s2;
	_ =	strace s9  }
0x27: {  	s1 =	sld [smem:$0x3FB0]  }
0x28: {  	s2 =	sld [smem:$0x3FB1]  }
0x29: {  	s4 =	sld [smem:$0x3FB3]  }
0x2a: {  	p0 =	seq.s32 s5, $0x0;
	s5 =	sld [smem:$0x3FB4]  }
0x2b: {  	s6 =	sld [smem:$0x3FB5]  }
0x2c: {  	s7 =	sld [smem:$0x3FB6]  }
0x2d: {  	s3 =	simm.s32 $0x108;
	s8 =	sld [smem:$0x3FB7]  }
0x2e: {  	s3 =	simm.s32 @!p0 $0x1082;
	s9 =	sld [smem:$0x3FB8]  }
0x2f: {  	lr =	sadd.s32 s0, s3;
	s0 =	sld [smem:$0x3FAF]  }
0x30: {  	s3 =	sld [smem:$0x3FB2]  }
0x31: {  	[smem:$0x3FBB] =	sst s10  }
0x32: {  	s10 =	sld [smem:$0x3FB9];
	_ =	sdelay $0x3  }
0x33: {  	p0 =	seq.s32 s10, $0x1;
	s10 =	sld [smem:$0x3FBB];
	_ =	sdelay $0x3  }
0x34: {  	[smem:$0x3FBB] =	sst s10  }
0x35: {  	s10 =	sld [smem:$0x3FBA];
	_ =	sdelay $0x3  }
0x36: {  	p1 =	seq.s32 s10, $0x1;
	s10 =	sld [smem:$0x3FBB];
	_ =	sdelay $0x3  }
0x37: {  	[smem:$0x3FBB] =	sst s10  }
0x38: {  	s10 =	sld [smem:$0x3FBC]  }
0x39: {  	_ = 	snop;
	(pc) =	sbr.ind lr, $3  }
0x3a: {  	_ = 	snop  }
0x3b: {  	_ = 	snop  }
0x3c: {  	p2 =	seq.s32 s10, $0x1;
	s10 =	sld [smem:$0x3FBB]  }
0x3d: {  	_ =	shalt  }
0x3e: {  	_ =	shalt  }
0x3f: {  	_ =	shalt  }
0x40: {  	_ =	shalt  }
0x41: {  	_ =	shalt  }
0x42: {  	_ =	shalt  }
0x43: {  	_ =	shalt  }
0x44: {  	_ =	shalt  }
0x45: {  	_ =	shalt  }
0x46: {  	_ =	shalt  }
0x47: {  	_ =	shalt  }
0x48: {  	_ =	shalt  }
0x49: {  	_ =	shalt  }
0x4a: {  	_ =	shalt  }
0x4b: {  	_ =	shalt  }
0x4c: {  	_ =	shalt  }
0x4d: {  	_ =	shalt  }
0x4e: {  	_ =	shalt  }
0x4f: {  	_ =	shalt  }
0x50: {  	_ =	shalt  }
0x51: {  	_ =	shalt  }
0x52: {  	_ =	shalt  }
0x53: {  	_ =	shalt  }
0x54: {  	_ =	shalt  }
0x55: {  	_ =	shalt  }
0x56: {  	_ =	shalt  }
0x57: {  	_ =	shalt  }
0x58: {  	_ =	shalt  }
0x59: {  	_ =	shalt  }
0x5a: {  	_ =	shalt  }
0x5b: {  	_ =	shalt  }
0x5c: {  	_ =	shalt  }
0x5d: {  	_ =	shalt  }
0x5e: {  	_ =	shalt  }
0x5f: {  	_ =	shalt  }
0x60: {  	_ =	shalt  }
0x61: {  	_ =	shalt  }
0x62: {  	_ =	shalt  }
0x63: {  	_ =	shalt  }
0x64: {  	_ =	shalt  }
0x65: {  	_ =	shalt  }
0x66: {  	_ =	shalt  }
0x67: {  	_ =	shalt  }
0x68: {  	_ =	shalt  }
0x69: {  	_ =	shalt  }
0x6a: {  	_ =	shalt  }
0x6b: {  	_ =	shalt  }
0x6c: {  	_ =	shalt  }
0x6d: {  	_ =	shalt  }
0x6e: {  	_ =	shalt  }
0x6f: {  	_ =	shalt  }
0x70: {  	_ =	shalt  }
0x71: {  	_ =	shalt  }
0x72: {  	_ =	shalt  }
0x73: {  	_ =	shalt  }
0x74: {  	_ =	shalt  }
0x75: {  	_ =	shalt  }
0x76: {  	_ =	shalt  }
0x77: {  	_ =	shalt  }
0x78: {  	_ =	shalt  }
0x79: {  	_ =	shalt  }
0x7a: {  	_ =	shalt  }
0x7b: {  	_ =	shalt  }
0x7c: {  	_ =	shalt  }
0x7d: {  	_ =	shalt  }
0x7e: {  	_ =	shalt  }
0x7f: {  	_ =	shalt  }
0x80: {  	_ =	shalt  }
0x81: {  	_ =	shalt  }
0x82: {  	_ =	shalt  }
0x83: {  	_ =	shalt  }
0x84: {  	_ =	shalt  }
0x85: {  	_ =	shalt  }
0x86: {  	_ =	shalt  }
0x87: {  	_ =	shalt  }
.Lfunc_end0:
.L_simem_size_0:
called_computation_lowered:
.L_overlay_start_0:
0x88: {  	s2 =	sld [smem:$0x3FD9]  }
0x89: {  	s3 =	sld [smem:$0x3FFE];
	_ =	sdelay $0x1  }
0x8a: {  	s1 =	srdreg.scid  }
0x8b: {  	s0 =	sand.u32 $0x1, s1  }
0x8c: {  	s17 =	sshll.u32 s0, $0xA;
	s2 =	sadd.s32 s3, s2  }
0x8d: {  	s2 =	sadd.s32 s2, s17  }
0x8e: {  	[smem:$0x3FC7] =	sst s2  }
0x8f: {  	_ = 	snop  }
0x90: {  	s2 =	sld [smem:$0x3FD0];
	(tm) =	ssettm $0x1  }
0x91: {  	s18 =	sld [smem:$0x3FFB];
	_ =	sdelay $0x3  }
0x92: {  	_ =	strace s18  }
0x93: {  	s3 =	sld [smem:$0x3FFC];
	_ =	sdelay $0x3  }
0x94: {  	_ =	strace s3  }
0x95: {  	s3 =	sld [smem:$0x3FFD];
	_ =	sdelay $0x3  }
0x96: {  	_ =	strace s3  }
0x97: {  	_ =	strace $0x8FFFFFFF  }
0x98: {  	s19 =	sld [smem:$0x3FDB];
	_ =	sdelay $0x1  }
0x99: {  	s4 =	simm.s32 $_scs_section_size  }
0x9a: {  	s5 =	simm.s32 $_size__tile_overlayer_lowered;
	s6 =	simm.s32 $_tile_overlayer_lowered  }
0x9b: {  	s22 =	simm.s32 $0x1BFF;
	s21 =	sshll.u32 s6, $0x1;
	s3 =	sadd.s32 s4, s19  }
0x9c: {  	s7 =	simm.s32 $0x0;
	s20 =	sshll.u32 s5, $0x1;
	s5 =	sadd.s32 s21, s3  }
0x9d: {  	[timem:s7], [sflag:s22] =	dma.local [hbm:s5], s20  }
0x9e: {  	_ =	swait.ge [sflag:s22], s20  }
0x9f: {  	s4 =	ssub.s32 $0x0, s20;
	[sflag:s22] =	ssyncset.done $0x0  }
0xa0: {  	[sflag:s22] =	ssyncadd.s32 s4;
	_ =	sdelay $0x1  }
0xa1: {  	s23 =	simm.s32 $0x1B8B  }
0xa2: {  	_ =	swait.ge [sflag:s23], $0x1  }
0xa3: {  	[sflag:s23] =	ssyncset.done $0x0  }
0xa4: {  	s25 =	simm.s32 $0x1B8E;
	s24 =	sld [smem:$0x3FFE];
	[sflag:s23] =	ssyncadd.s32 $0xFFFFFFFF  }
0xa5: {  	s26 =	simm.s32 $execute0_lowered;
	[smem:$0x3FD2] =	sst s25  }
0xa6: {  	s5 =	sshll.u32 s26, $0x1;
	_ =	strace $0x80000046;
	[dreg:$0x1] =	wrdreg $0xFFFFFFFF  }
0xa7: {  	s28 =	simm.s32 $_size_execute0_lowered;
	s3 =	sadd.s32 s3, s5;
	[dreg:$0x0] =	wrdreg $0x0  }
0xa8: {  	s5 =	sshll.u32 s28, $0x1;
	[dreg:$0x2] =	wrdreg s3  }
0xa9: {  	[dreg:$0x3] =	wrdreg s5  }
0xaa: {  	[dreg:$0x4] =	wrdreg $0xC0  }
0xab: {  	_ =	task [dreg:s7], $0x5FFFF  }
0xac: {  	[dreg:$0x1] =	wrdreg $0xFFFFFFFF  }
0xad: {  	[dreg:$0x0] =	wrdreg $0x60  }
0xae: {  	[dreg:$0x2] =	wrdreg s24  }
0xaf: {  	[dreg:$0x3] =	wrdreg s2  }
0xb0: {  	[dreg:$0x4] =	wrdreg $0x9  }
0xb1: {  	_ =	task.clear_ibuf [dreg:s7], $0x5FFFF;
	_ =	strace $0x90000046  }
0xb2: {  	s29 =	simm.s32 $0x9;
	_ =	strace $0x80000048  }
0xb3: {  	_ =	swait.ge [sflag:s29], $0x1  }
0xb4: {  	[sflag:s29] =	ssyncadd.s32 $0xFFFFFFFF  }
0xb5: {  	_ =	strace $0x90000048  }
0xb6: {  	_ =	sfence  }
0xb7: {  	s30 =	sld [smem:$0x0];
	_ =	sdelay $0x2  }
0xb8: {  	s31 =	sshll.u32 s1, $0xD;
	s1 =	sshrl.u32 s1, $0x2  }
0xb9: {  	s3 =	sand.u32 $0x4000, s31;
	s1 =	sadd.s32 s1, s30  }
0xba: {  	s0 =	sor.u32 s3, s0;
	s1 =	sshll.u32 s1, $0x11  }
0xbb: {  	s0 =	sor.u32 s1, s0  }
0xbc: {  	s0 =	sadd.s32 $0x8F2B, s0  }
0xbd: {  	[sflag:s0] =	ssyncadd.remote.s32 $0x1  }
0xbe: {  	_ =	sfence.sel $0xFFFF  }
0xbf: {  	[dreg:$0x0] =	wrdreg $0xFFFFFFFF;
	(pc) =	sbr.abs _section_cstart, $3  }
0xc0: {  	[dreg:$0x1] =	wrdreg $0xFFFFFFFF  }
0xc1: {  	_ =	task.clear_ibuf [dreg:s7], $0x2FFFF;
	_ =	strace $0x9FFFFFFF  }
0xc2: {  	(tm) =	ssettm $0x7FFFFFFF  }
0xc3: {  	_ =	shalt  }
tec
execute0_lowered:
.L_overlay_start_1:
0x0: {  	(tag) =	ssettag $0x1  }
0x1: {  	s4 =	rddreg [dreg:$0x0]  }
0x2: {  	s1 =	rddreg [dreg:$0x1];
	s3 =	srdreg.scid  }
0x3: {  	s0 =	rddreg [dreg:$0x2];
	s2 =	simm.s32 $0x0;
	s9 =	simm.s32 $0x1000  }
.Ltmp0:
0x4: {  	s10 =	simm.s32 $0x2;
	s3 =	sand.u32 $0x1, s3;
	(pc) =	sbr.rel .LBB2_1-.Ltmp0, $4  }
0x5: {  	s11 =	simm.s32 $0x1;
	s12 =	simm.s32 $0x0;
	s7 =	ssub.s32 $0x2, s3  }
0x6: {  	[smem:$0x7FF] =	sst s2;
	s5 =	sadd.s32 $0x400, s4;
	s8 =	sshrl.u32 s7, $0x1  }
0x7: {  	s6 =	sadd.s32 $0x2C00, s4;
	s4 =	stileid.u32;
	s8 =	ssub.s32 s7, s8  }
0x8: {  	v0 =	vlaneseq.u32;
	v1 =	vimm.f32 $1.000000000e+00;
	v2 =	vimm.f32 $0.0e+00;
	_ =	strace $0x80000047;
	s7 =	sshll.u32 s4, $0x1;
	s8 =	smax.u32 s8, $0x1  }
.LBB2_9:
0x9: {  	s12 =	sadd.s32 $0x1, s12  }
0xa: {  	p0 =	sne.s32 s12, s8  }
.Ltmp1:
0xb: {  	_ = 	snop;
	(pc) =	sbr.rel @!p0 .LBB2_10-.Ltmp1, $1  }
0xc: {  	_ =	sdelay $0x3  }
.LBB2_1:
.Ltmp2:
0xd: {  	(pc) =	sbr.rel .LBB2_2-.Ltmp2, $4  }
0xe: {  	[tilespmem:s9], [sflag:$0x2] =	stream.linear.gather [hbm4b:s6+s2], $0x8000, $0x38;
	[tilespmem:$0x9000] =	vst v63  }
0xf: {  	_ =	swait.ge [sflag:s10], $0x8000  }
0x10: {  	[sflag:s10] =	ssyncset.done $0x0  }
0x11: {  	s13 =	simm.s32 $0x0;
	[sflag:s10] =	ssyncadd.s32 $0xFFFF8000  }
.LBB2_8:
0x12: {  	s13 =	sadd.s32 $0x1, s13  }
0x13: {  	p0 =	sne.s32 s13, $0x4F  }
.Ltmp3:
0x14: {  	_ = 	snop;
	(pc) =	sbr.rel @!p0 .LBB2_9-.Ltmp3, $1  }
0x15: {  	_ =	sdelay $0x3  }
.LBB2_2:
0x16: {  	s14 =	sshll.u32 s13, $0x5  }
0x17: {  	s14 =	sor.u32 s7, s14  }
0x18: {  	p0 =	sgt.u32 s14, $0x9C3  }
.Ltmp4:
0x19: {  	_ = 	snop;
	(pc) =	sbr.rel @p0 .LBB2_8-.Ltmp4, $1  }
0x1a: {  	_ =	sdelay $0x3  }
0x1b: {  	s15 =	sor.u32 s3, s14  }
0x1c: {  	s14 =	smulhi.u32 $0x10624DD3, s15;
	_ =	sdelay $0x1  }
0x1d: {  	s14 =	sshrl.u32 s14, $0x3  }
0x1e: {  	s16 =	sshll.u32 s14, $0x9  }
0x1f: {  	s17 =	smul.u32 $0x7D, s14;
	s18 =	sadd.s32 s5, s16;
	s16 =	simm.s32 $0x0  }
0x20: {  	[tilespmem:s16], [sflag:$0x2] =	stream.linear.gather [hbm4b:s18+s16], $0x1000, $0x38;
	[tilespmem:$0x9000] =	vst v63  }
0x21: {  	s15 =	ssub.s32 s15, s17;
	_ =	swait.ge [sflag:s10], $0x1000  }
0x22: {  	s17 =	sshll.u32 s15, $0x3;
	[sflag:s10] =	ssyncset.done $0x0  }
0x23: {  	s31 =	sadd.s32 $0x8, s17;
	[sflag:s10] =	ssyncadd.s32 $0xFFFFF000  }
0x24: {  	s18 =	simm.s32 $0x0;
	v4 =	vmov s17;
	s17 =	simm.s32 $0x10;
	v3 =	vmov s31;
	v5 =	vld [tilespmem:s16+$0x0]  }
.LBB2_4:
0x25: {  	p0 =	sne.s32 s17, $0xFF0;
	v6 =	vmov s16  }
0x26: {  	v7 =	vor.u32 s16, v0;
	s16 =	smov.u32 s17;
	v6 =	vshll.u32 v6, $0x3  }
0x27: {  	v7 =	vand.u32 $0x7F, v7;
	v6 =	vand.u32 $0x7C00, v6  }
0x28: {  	v6 =	vor.u32 v6, v7  }
0x29: {  	v7 =	vsub.s32 v5, v4;
	vm0 =	vge.s32 v5, v4;
	v8 =	vshll.u32 v5, $0x7  }
0x2a: {  	vm1 =	vlt.s32 v5, v3;
	v5 =	vshll.u32 v7, $0xC;
	v7 =	vand.u32 $0x380, v8  }
0x2b: {  	vm0 =	vmand vm0, vm1;
	v5 =	vand.u32 $0xFFFF8000, v5;
	v6 =	vor.u32 v7, v6  }
0x2c: {  	v5 =	vor.u32 v5, v6;
	_ =	sdelay $0x1  }
.Ltmp5:
0x2d: {  	(pc) =	sbr.rel @p0 .LBB2_4-.Ltmp5, $3  }
0x2e: {  	_ =	sdelay $0x1  }
0x2f: {  	s18 =	sadd.s32 $0x10, s18;
	[tilespmem:v5+s9+$0x0] =	vst.idx.msk vm0, v1  }
0x30: {  	s17 =	sadd.s32 $0x10, s17;
	v5 =	vld [tilespmem:s18+$0x0]  }
0x31: {  	v6 =	vmov s16  }
0x32: {  	v7 =	vor.u32 s16, v0;
	v6 =	vshll.u32 v6, $0x3  }
0x33: {  	v7 =	vand.u32 $0x7F, v7;
	v6 =	vand.u32 $0x7C00, v6  }
0x34: {  	v6 =	vor.u32 v6, v7  }
0x35: {  	v7 =	vsub.s32 v5, v4;
	vm0 =	vge.s32 v5, v4;
	v8 =	vshll.u32 v5, $0x7  }
0x36: {  	vm1 =	vlt.s32 v5, v3;
	v5 =	vshll.u32 v7, $0xC;
	v7 =	vand.u32 $0x380, v8  }
0x37: {  	vm0 =	vmand vm0, vm1;
	v5 =	vand.u32 $0xFFFF8000, v5;
	v6 =	vor.u32 v7, v6  }
0x38: {  	v5 =	vor.u32 v5, v6  }
0x39: {  	s14 =	smul.u32 $0x3E8000, s14  }
0x3a: {  	s15 =	sshll.u32 s15, $0xF  }
0x3b: {  	s14 =	sadd.s32 s15, s14  }
0x3c: {  	s14 =	sshrl.u32 s14, $0x3  }
0x3d: {  	s31 =	sadd.s32 s1, s14;
	s14 =	simm.s32 $0x0;
	[tilespmem:v5+s9+$0x0] =	vst.idx.msk vm0, v1  }
0x3e: {  	[hbm4b:s31+s14] =	stream.linear.scatter [tilespmem:s9], [sflag:$0x1], $0x8000, $0x38;
	[tilespmem:$0x9000] =	vst v63  }
0x3f: {  	_ =	swait.ge [sflag:s11], $0x8000  }
0x40: {  	[sflag:s11] =	ssyncset.done $0x0  }
0x41: {  	[sflag:s11] =	ssyncadd.s32 $0xFFFF8000  }
0x42: {  	s16 =	simm.s32 $0x0;
	s15 =	simm.s32 $0x10;
	v5 =	vld [tilespmem:s14+$0x0]  }
.LBB2_6:
0x43: {  	p0 =	sne.s32 s15, $0xFF0;
	v6 =	vmov s14  }
0x44: {  	v7 =	vor.u32 s14, v0;
	s14 =	smov.u32 s15;
	v6 =	vshll.u32 v6, $0x3  }
0x45: {  	v7 =	vand.u32 $0x7F, v7;
	v6 =	vand.u32 $0x7C00, v6  }
0x46: {  	v6 =	vor.u32 v6, v7  }
0x47: {  	v7 =	vsub.s32 v5, v4;
	vm0 =	vge.s32 v5, v4;
	v8 =	vshll.u32 v5, $0x7  }
0x48: {  	vm1 =	vlt.s32 v5, v3;
	v5 =	vshll.u32 v7, $0xC;
	v7 =	vand.u32 $0x380, v8  }
0x49: {  	vm0 =	vmand vm0, vm1;
	v5 =	vand.u32 $0xFFFF8000, v5;
	v6 =	vor.u32 v7, v6  }
0x4a: {  	v5 =	vor.u32 v5, v6;
	_ =	sdelay $0x1  }
.Ltmp6:
0x4b: {  	(pc) =	sbr.rel @p0 .LBB2_6-.Ltmp6, $3  }
0x4c: {  	_ =	sdelay $0x1  }
0x4d: {  	s16 =	sadd.s32 $0x10, s16;
	[tilespmem:v5+s9+$0x0] =	vst.idx.msk vm0, v2  }
0x4e: {  	s15 =	sadd.s32 $0x10, s15;
	v5 =	vld [tilespmem:s16+$0x0]  }
0x4f: {  	v6 =	vmov s14  }
0x50: {  	v7 =	vor.u32 s14, v0;
	v6 =	vshll.u32 v6, $0x3  }
0x51: {  	v7 =	vand.u32 $0x7F, v7;
	v6 =	vand.u32 $0x7C00, v6  }
0x52: {  	v6 =	vor.u32 v6, v7  }
0x53: {  	v62 =	vsub.s32 v5, v4;
	vm0 =	vge.s32 v5, v4;
	v63 =	vshll.u32 v5, $0x7  }
0x54: {  	vm1 =	vlt.s32 v5, v3;
	v3 =	vshll.u32 v62, $0xC;
	v4 =	vand.u32 $0x380, v63  }
0x55: {  	vm0 =	vmand vm0, vm1;
	v3 =	vand.u32 $0xFFFF8000, v3;
	v4 =	vor.u32 v4, v6  }
0x56: {  	v3 =	vor.u32 v3, v4  }
.Ltmp7:
0x57: {  	_ = 	snop;
	(pc) =	sbr.rel .LBB2_8-.Ltmp7, $2  }
0x58: {  	_ =	sdelay $0x2  }
0x59: {  	[tilespmem:v3+s9+$0x0] =	vst.idx.msk vm0, v2  }
.LBB2_10:
0x5a: {  	_ =	sfence.sel $0x180000  }
0x5b: {  	[bflag:$0x0] =	sbarrier.arrive $0xFFFF  }
0x5c: {  	p0 =	sne.s32 s4, $0x0;
	_ =	strace $0x90000047  }
0x5d: {  	s0 =	sadd.s32 @!p0 $0x100000, s0;
	[bflag:$0x2] =	sbarrier.arrive $0xFFFF  }
0x5e: {  	[sflag:s0] =	ssyncadd.tile.s32 @!p0 $0x1;
	_ =	shalt  }
.Lfunc_end2:
_tile_overlayer_lowered:
.L_overlay_start_2:
0x5f: {  	(tag) =	ssettag $0x2  }
0x60: {  	s0 =	rddreg [dreg:$0x0];
	s2 =	stileid.u32  }
0x61: {  	s1 =	rddreg [dreg:$0x1];
	p0 =	sne.s32 s2, $0x0  }
0x62: {  	s3 =	rddreg [dreg:$0x2];
	[bflag:$0x3] =	sbarrier.arrive $0xFFFF;
	s2 =	simm.s32 @!p0 $0x1C02  }
0x63: {  	[timem:s3], [sflag:s2] =	dma.local @!p0 [hbm:s0], s1  }
0x64: {  	s0 =	simm.s32 @!p0 $0x2  }
0x65: {  	_ =	swait.ge @!p0 [sflag:s0], s1  }
0x66: {  	s1 =	ssub.s32 @!p0 $0x0, s1;
	[sflag:s0] =	ssyncset.done @!p0 $0x0  }
0x67: {  	[sflag:s0] =	ssyncadd.s32 @!p0 s1  }
0x68: {  	[bflag:$0x3] =	sbarrier.arrive $0xFFFF  }
0x69: {  	_ =	shalt  }

</sc_bundles>
